<compile_context>
chip_gen: v7x
topology: tpu7x:2x2x1
jax: 0.10.2.dev20260603
libtpu: 0.0.44.dev20260713+nightly
codegen_flags: <defaults>
</compile_context>

<pallas_src>
import functools

import jax
import jax.numpy as jnp
from jax import lax
from jax.experimental import pallas as pl
from jax.experimental.pallas import tpu as pltpu
from jax.experimental.pallas import tpu_sc as plsc

NC = 2
NS = 16
NW = NC * NS

EMB = 128
CHUNK = 128
NBUF = 6
NGIF = 3


def _sc_gather(n_idx, n_chunks_per_w):
    mesh = plsc.VectorSubcoreMesh(core_axis_name="c", subcore_axis_name="s")
    chunks_per_w = n_chunks_per_w

    @functools.partial(
        pl.kernel,
        out_type=jax.ShapeDtypeStruct((n_idx, EMB), jnp.float32),
        mesh=mesh,
        scratch_types=[
            pltpu.VMEM((chunks_per_w, CHUNK), jnp.int32),
            pltpu.VMEM((NBUF, CHUNK, EMB), jnp.float32),
            pltpu.SemaphoreType.DMA,
            pltpu.SemaphoreType.DMA,
        ],
    )
    def k(words_hbm, table_hbm, out_hbm, idx_v, rows_v, gsem, osem):
        wid = lax.axis_index("s") * NC + lax.axis_index("c")
        pltpu.sync_copy(words_hbm.at[pl.ds(wid * chunks_per_w, chunks_per_w)], idx_v)

        base = wid * chunks_per_w * CHUNK

        def fire(j, buf):
            pltpu.async_copy(table_hbm.at[idx_v.at[j]], rows_v.at[buf], gsem)

        for b in range(NGIF):
            fire(b, b)

        def body(j, _):
            buf = lax.rem(j, NBUF)
            pltpu.make_async_copy(
                table_hbm.at[idx_v.at[j]], rows_v.at[buf], gsem
            ).wait()
            pltpu.async_copy(
                rows_v.at[buf], out_hbm.at[pl.ds(base + j * CHUNK, CHUNK)], osem
            )

            @pl.when(j >= NBUF - NGIF)
            def _():
                pltpu.make_async_copy(
                    rows_v.at[buf], out_hbm.at[pl.ds(base, CHUNK)], osem
                ).wait()

            @pl.when(j < chunks_per_w - NGIF)
            def _():
                fire(j + NGIF, lax.rem(j + NGIF, NBUF))

            return ()

        lax.fori_loop(0, chunks_per_w, body, (), unroll=False)

        for _ in range(NBUF - NGIF):
            pltpu.make_async_copy(
                rows_v.at[0], out_hbm.at[pl.ds(base, CHUNK)], osem
            ).wait()

    return k


def kernel(words, word_counts, table):
    B, L = words.shape
    n_idx = B * L
    chunks_per_w = n_idx // (NW * CHUNK)
    words_2d = words.reshape(NW * chunks_per_w, CHUNK).astype(jnp.int32)
    out = _sc_gather(n_idx, chunks_per_w)(words_2d, table)
    return out.reshape(B, L, EMB)

# --- scband reference (transcript-rebuilt; emitter-appended) ---
"""Pipeline reference for scband-word-encoder-61624190763801 (READ-ONLY COPY).

The authoritative reference and input builder live on the scoring server;
editing this copy changes nothing except your own understanding.
"""

import jax, jax.numpy as jnp
import numpy as np

NWORDS = 100000
EMB = 128
VOCAB = NWORDS + 2  # padding_idx=0 plus extra token
B = 4096
L = 200


def setup_inputs(seed: int = 0) -> dict:
    key = jax.random.key(seed)
    k_words, k_counts, k_table = jax.random.split(key, 3)
    words = jax.random.randint(k_words, (B, L), 0, VOCAB, dtype=jnp.int64) if jax.config.jax_enable_x64 else jax.random.randint(k_words, (B, L), 0, VOCAB, dtype=jnp.int32)
    word_counts = jax.random.randint(k_counts, (B, L), 0, 32, dtype=jnp.int32)
    table = jax.random.normal(k_table, (VOCAB, EMB), dtype=jnp.float32)
    # padding_idx=0: row 0 is zero-initialized in torch.nn.Embedding
    table = table.at[0].set(0.0)
    return {"words": words, "word_counts": word_counts, "table": table}


def reference(words, word_counts, table):
    # WordEncoder.forward: return self.embeddings(words); word_counts is unused.
    return jnp.take(table, words, axis=0)

if __name__ == "__main__":
    import jax
    _d = setup_inputs()
    print(jax.jit(kernel)(*tuple(_d.values())))

</pallas_src>

<mosaic_0001>
#map = affine_map<(d0, d1) -> (0, 0)>
module attributes {stable_mosaic.version = 14 : i64} {
  func.func @k(%arg0: i32, %arg1: i32, %arg2: memref<6400x128xi32, #tpu.memory_space<hbm>>, %arg3: memref<100002x128xf32, #tpu.memory_space<hbm>>, %arg4: memref<819200x128xf32, #tpu.memory_space<hbm>>, %arg5: memref<200x128xi32, #tpu.memory_space<vmem>>, %arg6: memref<6x128x128xf32, #tpu.memory_space<vmem>>, %arg7: memref<!tpu.dma_semaphore, #tpu.memory_space<semaphore_mem>>, %arg8: memref<!tpu.dma_semaphore, #tpu.memory_space<semaphore_mem>>) attributes {dimension_semantics = [#tpu.dimension_semantics<core_parallel>, #tpu.dimension_semantics<subcore_parallel>], iteration_bounds = array<i64: 2, 16>, scalar_prefetch = 0 : i64, scratch_operands = 4 : i64, tpu.core_type = #tpu.core_type<sc_vector_subcore>, window_params = [{transform_indices = #map}, {transform_indices = #map}, {transform_indices = #map}]} {
    %mul3A = arith.constant 2 : i32
    %mul3A_0 = arith.muli %arg1, %mul3A : i32
    %add3A = arith.addi %mul3A_0, %arg0 : i32
    %mul3A_1 = arith.constant 200 : i32
    %mul3A_2 = arith.muli %add3A, %mul3A_1 : i32
    "tpu.region"() ({
      %run_scoped3A = tpu.sem_alloc : memref<!tpu.dma_semaphore, #tpu.memory_space<semaphore_mem>>
      %dma_start3A_84 = arith.constant 0 : i32
      %dma_start3A_85 = tpu.memref_slice %arg2[%mul3A_2, %dma_start3A_84] : memref<6400x128xi32, #tpu.memory_space<hbm>> -> memref<200x128xi32, #tpu.memory_space<hbm>>
      %dma_start3A_86 = arith.constant 0 : i32
      %dma_start3A_87 = tpu.memref_slice %arg2[%mul3A_2, %dma_start3A_86] : memref<6400x128xi32, #tpu.memory_space<hbm>> -> memref<200x128xi32, #tpu.memory_space<hbm>>
      tpu.enqueue_dma source(%dma_start3A_87 : memref<200x128xi32, #tpu.memory_space<hbm>>) target(%arg5 : memref<200x128xi32, #tpu.memory_space<vmem>>) target_semaphore(%run_scoped3A : memref<!tpu.dma_semaphore, #tpu.memory_space<semaphore_mem>>)
      %dma_wait3A_88 = arith.constant 0 : i32
      %dma_wait3A_89 = tpu.memref_slice %arg2[%mul3A_2, %dma_wait3A_88] : memref<6400x128xi32, #tpu.memory_space<hbm>> -> memref<200x128xi32, #tpu.memory_space<hbm>>
      %dma_wait3A_90 = arith.constant 0 : i32
      %dma_wait3A_91 = tpu.memref_slice %arg2[%mul3A_2, %dma_wait3A_90] : memref<6400x128xi32, #tpu.memory_space<hbm>> -> memref<200x128xi32, #tpu.memory_space<hbm>>
      tpu.wait_dma2 semaphore(%run_scoped3A : memref<!tpu.dma_semaphore, #tpu.memory_space<semaphore_mem>>) src(%dma_wait3A_91 : memref<200x128xi32, #tpu.memory_space<hbm>>) dst(%arg5 : memref<200x128xi32, #tpu.memory_space<vmem>>)
      tpu.yield
    }) : () -> ()
    %mul3A_3 = arith.constant 200 : i32
    %mul3A_4 = arith.muli %add3A, %mul3A_3 : i32
    %mul3A_5 = arith.constant 128 : i32
    %mul3A_6 = arith.muli %mul3A_4, %mul3A_5 : i32
    %dma_start3A = arith.constant 0 : i32
    %dma_start3A_7 = arith.constant 0 : i32
    %dma_start3A_8 = arith.constant 0 : i32
    %dma_start3A_9 = arith.constant 0 : i32
    %dma_start3A_10 = tpu.memref_slice %arg6[%dma_start3A_7, %dma_start3A_8, %dma_start3A_9] : memref<6x128x128xf32, #tpu.memory_space<vmem>> -> memref<1x128x128xf32, #tpu.memory_space<vmem>>
    %dma_start3A_11 = tpu.memref_squeeze %dma_start3A_10 : memref<1x128x128xf32, #tpu.memory_space<vmem>> -> memref<128x128xf32, #tpu.memory_space<vmem>>
    %dma_start3A_12 = arith.constant 0 : i32
    %dma_start3A_13 = tpu.memref_slice %arg5[%dma_start3A, %dma_start3A_12] : memref<200x128xi32, #tpu.memory_space<vmem>> -> memref<1x128xi32, #tpu.memory_space<vmem>>
    %dma_start3A_14 = tpu.memref_squeeze %dma_start3A_13 : memref<1x128xi32, #tpu.memory_space<vmem>> -> memref<128xi32, #tpu.memory_space<vmem>>
    %dma_start3A_15 = arith.constant 0 : i32
    %dma_start3A_16 = arith.constant 0 : i32
    %dma_start3A_17 = tpu.memref_slice %arg3[%dma_start3A_15, %dma_start3A_16] : memref<100002x128xf32, #tpu.memory_space<hbm>> -> memref<100002x128xf32, #tpu.memory_space<hbm>>
    tpu.enqueue_indirect_dma source(%dma_start3A_17 : memref<100002x128xf32, #tpu.memory_space<hbm>>) target(%dma_start3A_11 : memref<128x128xf32, #tpu.memory_space<vmem>>) offsets(%dma_start3A_14 : memref<128xi32, #tpu.memory_space<vmem>>) semaphore(%arg7 : memref<!tpu.dma_semaphore, #tpu.memory_space<semaphore_mem>>)
    %dma_start3A_18 = arith.constant 1 : i32
    %dma_start3A_19 = arith.constant 1 : i32
    %dma_start3A_20 = arith.constant 0 : i32
    %dma_start3A_21 = arith.constant 0 : i32
    %dma_start3A_22 = tpu.memref_slice %arg6[%dma_start3A_19, %dma_start3A_20, %dma_start3A_21] : memref<6x128x128xf32, #tpu.memory_space<vmem>> -> memref<1x128x128xf32, #tpu.memory_space<vmem>>
    %dma_start3A_23 = tpu.memref_squeeze %dma_start3A_22 : memref<1x128x128xf32, #tpu.memory_space<vmem>> -> memref<128x128xf32, #tpu.memory_space<vmem>>
    %dma_start3A_24 = arith.constant 0 : i32
    %dma_start3A_25 = tpu.memref_slice %arg5[%dma_start3A_18, %dma_start3A_24] : memref<200x128xi32, #tpu.memory_space<vmem>> -> memref<1x128xi32, #tpu.memory_space<vmem>>
    %dma_start3A_26 = tpu.memref_squeeze %dma_start3A_25 : memref<1x128xi32, #tpu.memory_space<vmem>> -> memref<128xi32, #tpu.memory_space<vmem>>
    %dma_start3A_27 = arith.constant 0 : i32
    %dma_start3A_28 = arith.constant 0 : i32
    %dma_start3A_29 = tpu.memref_slice %arg3[%dma_start3A_27, %dma_start3A_28] : memref<100002x128xf32, #tpu.memory_space<hbm>> -> memref<100002x128xf32, #tpu.memory_space<hbm>>
    tpu.enqueue_indirect_dma source(%dma_start3A_29 : memref<100002x128xf32, #tpu.memory_space<hbm>>) target(%dma_start3A_23 : memref<128x128xf32, #tpu.memory_space<vmem>>) offsets(%dma_start3A_26 : memref<128xi32, #tpu.memory_space<vmem>>) semaphore(%arg7 : memref<!tpu.dma_semaphore, #tpu.memory_space<semaphore_mem>>)
    %dma_start3A_30 = arith.constant 2 : i32
    %dma_start3A_31 = arith.constant 2 : i32
    %dma_start3A_32 = arith.constant 0 : i32
    %dma_start3A_33 = arith.constant 0 : i32
    %dma_start3A_34 = tpu.memref_slice %arg6[%dma_start3A_31, %dma_start3A_32, %dma_start3A_33] : memref<6x128x128xf32, #tpu.memory_space<vmem>> -> memref<1x128x128xf32, #tpu.memory_space<vmem>>
    %dma_start3A_35 = tpu.memref_squeeze %dma_start3A_34 : memref<1x128x128xf32, #tpu.memory_space<vmem>> -> memref<128x128xf32, #tpu.memory_space<vmem>>
    %dma_start3A_36 = arith.constant 0 : i32
    %dma_start3A_37 = tpu.memref_slice %arg5[%dma_start3A_30, %dma_start3A_36] : memref<200x128xi32, #tpu.memory_space<vmem>> -> memref<1x128xi32, #tpu.memory_space<vmem>>
    %dma_start3A_38 = tpu.memref_squeeze %dma_start3A_37 : memref<1x128xi32, #tpu.memory_space<vmem>> -> memref<128xi32, #tpu.memory_space<vmem>>
    %dma_start3A_39 = arith.constant 0 : i32
    %dma_start3A_40 = arith.constant 0 : i32
    %dma_start3A_41 = tpu.memref_slice %arg3[%dma_start3A_39, %dma_start3A_40] : memref<100002x128xf32, #tpu.memory_space<hbm>> -> memref<100002x128xf32, #tpu.memory_space<hbm>>
    tpu.enqueue_indirect_dma source(%dma_start3A_41 : memref<100002x128xf32, #tpu.memory_space<hbm>>) target(%dma_start3A_35 : memref<128x128xf32, #tpu.memory_space<vmem>>) offsets(%dma_start3A_38 : memref<128xi32, #tpu.memory_space<vmem>>) semaphore(%arg7 : memref<!tpu.dma_semaphore, #tpu.memory_space<semaphore_mem>>)
    %scan3A = arith.constant 0 : i32
    %scan3A_42 = arith.constant 200 : i32
    %scan3A_43 = arith.addi %scan3A, %scan3A_42 : i32
    %scan3A_44 = arith.constant 1 : i32
    scf.for %scan3A_84 = %scan3A to %scan3A_43 step %scan3A_44  : i32 {
      %rem3A = arith.constant 6 : i32
      %rem3A_85 = arith.remsi %scan3A_84, %rem3A : i32
      %dma_wait3A_86 = arith.constant 0 : i32
      %dma_wait3A_87 = arith.constant 0 : i32
      %dma_wait3A_88 = tpu.memref_slice %arg6[%rem3A_85, %dma_wait3A_86, %dma_wait3A_87] : memref<6x128x128xf32, #tpu.memory_space<vmem>> -> memref<1x128x128xf32, #tpu.memory_space<vmem>>
      %dma_wait3A_89 = tpu.memref_squeeze %dma_wait3A_88 : memref<1x128x128xf32, #tpu.memory_space<vmem>> -> memref<128x128xf32, #tpu.memory_space<vmem>>
      %dma_wait3A_90 = arith.constant 0 : i32
      %dma_wait3A_91 = tpu.memref_slice %arg5[%scan3A_84, %dma_wait3A_90] : memref<200x128xi32, #tpu.memory_space<vmem>> -> memref<1x128xi32, #tpu.memory_space<vmem>>
      %dma_wait3A_92 = tpu.memref_squeeze %dma_wait3A_91 : memref<1x128xi32, #tpu.memory_space<vmem>> -> memref<128xi32, #tpu.memory_space<vmem>>
      %dma_wait3A_93 = arith.constant 0 : i32
      %dma_wait3A_94 = arith.constant 0 : i32
      %dma_wait3A_95 = tpu.memref_slice %arg3[%dma_wait3A_93, %dma_wait3A_94] : memref<100002x128xf32, #tpu.memory_space<hbm>> -> memref<100002x128xf32, #tpu.memory_space<hbm>>
      tpu.wait_indirect_dma semaphore(%arg7 : memref<!tpu.dma_semaphore, #tpu.memory_space<semaphore_mem>>) src(%dma_wait3A_95 : memref<100002x128xf32, #tpu.memory_space<hbm>>) dst(%dma_wait3A_89 : memref<128x128xf32, #tpu.memory_space<vmem>>)
      %mul3A_96 = arith.constant 128 : i32
      %mul3A_97 = arith.muli %scan3A_84, %mul3A_96 : i32
      %add3A_98 = arith.addi %mul3A_6, %mul3A_97 : i32
      %dma_start3A_99 = arith.constant 0 : i32
      %dma_start3A_100 = arith.constant 0 : i32
      %dma_start3A_101 = tpu.memref_slice %arg6[%rem3A_85, %dma_start3A_99, %dma_start3A_100] : memref<6x128x128xf32, #tpu.memory_space<vmem>> -> memref<1x128x128xf32, #tpu.memory_space<vmem>>
      %dma_start3A_102 = tpu.memref_squeeze %dma_start3A_101 : memref<1x128x128xf32, #tpu.memory_space<vmem>> -> memref<128x128xf32, #tpu.memory_space<vmem>>
      %dma_start3A_103 = arith.constant 0 : i32
      %dma_start3A_104 = tpu.memref_slice %arg4[%add3A_98, %dma_start3A_103] : memref<819200x128xf32, #tpu.memory_space<hbm>> -> memref<128x128xf32, #tpu.memory_space<hbm>>
      %dma_start3A_105 = arith.constant 0 : i32
      %dma_start3A_106 = tpu.memref_slice %arg4[%add3A_98, %dma_start3A_105] : memref<819200x128xf32, #tpu.memory_space<hbm>> -> memref<128x128xf32, #tpu.memory_space<hbm>>
      %dma_start3A_107 = arith.constant 0 : i32
      %dma_start3A_108 = arith.constant 0 : i32
      %dma_start3A_109 = tpu.memref_slice %arg6[%rem3A_85, %dma_start3A_107, %dma_start3A_108] : memref<6x128x128xf32, #tpu.memory_space<vmem>> -> memref<1x128x128xf32, #tpu.memory_space<vmem>>
      %dma_start3A_110 = tpu.memref_squeeze %dma_start3A_109 : memref<1x128x128xf32, #tpu.memory_space<vmem>> -> memref<128x128xf32, #tpu.memory_space<vmem>>
      tpu.enqueue_dma source(%dma_start3A_110 : memref<128x128xf32, #tpu.memory_space<vmem>>) target(%dma_start3A_106 : memref<128x128xf32, #tpu.memory_space<hbm>>) target_semaphore(%arg8 : memref<!tpu.dma_semaphore, #tpu.memory_space<semaphore_mem>>)
      %ge3A = arith.constant 3 : i32
      %ge3A_111 = arith.cmpi sge, %scan3A_84, %ge3A : i32
      %convert_element_type3A = arith.extui %ge3A_111 : i1 to i32
      %cond3A = arith.constant 0 : i32
      %cond3A_112 = arith.cmpi ne, %convert_element_type3A, %cond3A : i32
      scf.if %cond3A_112 {
        %dma_wait3A_117 = arith.constant 0 : i32
        %dma_wait3A_118 = arith.constant 0 : i32
        %dma_wait3A_119 = tpu.memref_slice %arg6[%rem3A_85, %dma_wait3A_117, %dma_wait3A_118] : memref<6x128x128xf32, #tpu.memory_space<vmem>> -> memref<1x128x128xf32, #tpu.memory_space<vmem>>
        %dma_wait3A_120 = tpu.memref_squeeze %dma_wait3A_119 : memref<1x128x128xf32, #tpu.memory_space<vmem>> -> memref<128x128xf32, #tpu.memory_space<vmem>>
        %dma_wait3A_121 = arith.constant 0 : i32
        %dma_wait3A_122 = tpu.memref_slice %arg4[%mul3A_6, %dma_wait3A_121] : memref<819200x128xf32, #tpu.memory_space<hbm>> -> memref<128x128xf32, #tpu.memory_space<hbm>>
        %dma_wait3A_123 = arith.constant 0 : i32
        %dma_wait3A_124 = tpu.memref_slice %arg4[%mul3A_6, %dma_wait3A_123] : memref<819200x128xf32, #tpu.memory_space<hbm>> -> memref<128x128xf32, #tpu.memory_space<hbm>>
        %dma_wait3A_125 = arith.constant 0 : i32
        %dma_wait3A_126 = arith.constant 0 : i32
        %dma_wait3A_127 = tpu.memref_slice %arg6[%rem3A_85, %dma_wait3A_125, %dma_wait3A_126] : memref<6x128x128xf32, #tpu.memory_space<vmem>> -> memref<1x128x128xf32, #tpu.memory_space<vmem>>
        %dma_wait3A_128 = tpu.memref_squeeze %dma_wait3A_127 : memref<1x128x128xf32, #tpu.memory_space<vmem>> -> memref<128x128xf32, #tpu.memory_space<vmem>>
        tpu.wait_dma2 semaphore(%arg8 : memref<!tpu.dma_semaphore, #tpu.memory_space<semaphore_mem>>) src(%dma_wait3A_128 : memref<128x128xf32, #tpu.memory_space<vmem>>) dst(%dma_wait3A_124 : memref<128x128xf32, #tpu.memory_space<hbm>>)
      } else {
      }
      %lt3A = arith.constant 197 : i32
      %lt3A_113 = arith.cmpi slt, %scan3A_84, %lt3A : i32
      %convert_element_type3A_114 = arith.extui %lt3A_113 : i1 to i32
      %cond3A_115 = arith.constant 0 : i32
      %cond3A_116 = arith.cmpi ne, %convert_element_type3A_114, %cond3A_115 : i32
      scf.if %cond3A_116 {
        %add3A_117 = arith.constant 3 : i32
        %add3A_118 = arith.addi %scan3A_84, %add3A_117 : i32
        %add3A_119 = arith.constant 3 : i32
        %add3A_120 = arith.addi %scan3A_84, %add3A_119 : i32
        %rem3A_121 = arith.constant 6 : i32
        %rem3A_122 = arith.remsi %add3A_120, %rem3A_121 : i32
        %dma_start3A_123 = arith.constant 0 : i32
        %dma_start3A_124 = arith.constant 0 : i32
        %dma_start3A_125 = tpu.memref_slice %arg6[%rem3A_122, %dma_start3A_123, %dma_start3A_124] : memref<6x128x128xf32, #tpu.memory_space<vmem>> -> memref<1x128x128xf32, #tpu.memory_space<vmem>>
        %dma_start3A_126 = tpu.memref_squeeze %dma_start3A_125 : memref<1x128x128xf32, #tpu.memory_space<vmem>> -> memref<128x128xf32, #tpu.memory_space<vmem>>
        %dma_start3A_127 = arith.constant 0 : i32
        %dma_start3A_128 = tpu.memref_slice %arg5[%add3A_118, %dma_start3A_127] : memref<200x128xi32, #tpu.memory_space<vmem>> -> memref<1x128xi32, #tpu.memory_space<vmem>>
        %dma_start3A_129 = tpu.memref_squeeze %dma_start3A_128 : memref<1x128xi32, #tpu.memory_space<vmem>> -> memref<128xi32, #tpu.memory_space<vmem>>
        %dma_start3A_130 = arith.constant 0 : i32
        %dma_start3A_131 = arith.constant 0 : i32
        %dma_start3A_132 = tpu.memref_slice %arg3[%dma_start3A_130, %dma_start3A_131] : memref<100002x128xf32, #tpu.memory_space<hbm>> -> memref<100002x128xf32, #tpu.memory_space<hbm>>
        tpu.enqueue_indirect_dma source(%dma_start3A_132 : memref<100002x128xf32, #tpu.memory_space<hbm>>) target(%dma_start3A_126 : memref<128x128xf32, #tpu.memory_space<vmem>>) offsets(%dma_start3A_129 : memref<128xi32, #tpu.memory_space<vmem>>) semaphore(%arg7 : memref<!tpu.dma_semaphore, #tpu.memory_space<semaphore_mem>>)
      } else {
      }
    }
    %scan3A_45 = arith.constant 200 : i32
    %dma_wait3A = arith.constant 0 : i32
    %dma_wait3A_46 = arith.constant 0 : i32
    %dma_wait3A_47 = arith.constant 0 : i32
    %dma_wait3A_48 = tpu.memref_slice %arg6[%dma_wait3A, %dma_wait3A_46, %dma_wait3A_47] : memref<6x128x128xf32, #tpu.memory_space<vmem>> -> memref<1x128x128xf32, #tpu.memory_space<vmem>>
    %dma_wait3A_49 = tpu.memref_squeeze %dma_wait3A_48 : memref<1x128x128xf32, #tpu.memory_space<vmem>> -> memref<128x128xf32, #tpu.memory_space<vmem>>
    %dma_wait3A_50 = arith.constant 0 : i32
    %dma_wait3A_51 = tpu.memref_slice %arg4[%mul3A_6, %dma_wait3A_50] : memref<819200x128xf32, #tpu.memory_space<hbm>> -> memref<128x128xf32, #tpu.memory_space<hbm>>
    %dma_wait3A_52 = arith.constant 0 : i32
    %dma_wait3A_53 = tpu.memref_slice %arg4[%mul3A_6, %dma_wait3A_52] : memref<819200x128xf32, #tpu.memory_space<hbm>> -> memref<128x128xf32, #tpu.memory_space<hbm>>
    %dma_wait3A_54 = arith.constant 0 : i32
    %dma_wait3A_55 = arith.constant 0 : i32
    %dma_wait3A_56 = tpu.memref_slice %arg6[%dma_wait3A, %dma_wait3A_54, %dma_wait3A_55] : memref<6x128x128xf32, #tpu.memory_space<vmem>> -> memref<1x128x128xf32, #tpu.memory_space<vmem>>
    %dma_wait3A_57 = tpu.memref_squeeze %dma_wait3A_56 : memref<1x128x128xf32, #tpu.memory_space<vmem>> -> memref<128x128xf32, #tpu.memory_space<vmem>>
    tpu.wait_dma2 semaphore(%arg8 : memref<!tpu.dma_semaphore, #tpu.memory_space<semaphore_mem>>) src(%dma_wait3A_57 : memref<128x128xf32, #tpu.memory_space<vmem>>) dst(%dma_wait3A_53 : memref<128x128xf32, #tpu.memory_space<hbm>>)
    %dma_wait3A_58 = arith.constant 0 : i32
    %dma_wait3A_59 = arith.constant 0 : i32
    %dma_wait3A_60 = arith.constant 0 : i32
    %dma_wait3A_61 = tpu.memref_slice %arg6[%dma_wait3A_58, %dma_wait3A_59, %dma_wait3A_60] : memref<6x128x128xf32, #tpu.memory_space<vmem>> -> memref<1x128x128xf32, #tpu.memory_space<vmem>>
    %dma_wait3A_62 = tpu.memref_squeeze %dma_wait3A_61 : memref<1x128x128xf32, #tpu.memory_space<vmem>> -> memref<128x128xf32, #tpu.memory_space<vmem>>
    %dma_wait3A_63 = arith.constant 0 : i32
    %dma_wait3A_64 = tpu.memref_slice %arg4[%mul3A_6, %dma_wait3A_63] : memref<819200x128xf32, #tpu.memory_space<hbm>> -> memref<128x128xf32, #tpu.memory_space<hbm>>
    %dma_wait3A_65 = arith.constant 0 : i32
    %dma_wait3A_66 = tpu.memref_slice %arg4[%mul3A_6, %dma_wait3A_65] : memref<819200x128xf32, #tpu.memory_space<hbm>> -> memref<128x128xf32, #tpu.memory_space<hbm>>
    %dma_wait3A_67 = arith.constant 0 : i32
    %dma_wait3A_68 = arith.constant 0 : i32
    %dma_wait3A_69 = tpu.memref_slice %arg6[%dma_wait3A_58, %dma_wait3A_67, %dma_wait3A_68] : memref<6x128x128xf32, #tpu.memory_space<vmem>> -> memref<1x128x128xf32, #tpu.memory_space<vmem>>
    %dma_wait3A_70 = tpu.memref_squeeze %dma_wait3A_69 : memref<1x128x128xf32, #tpu.memory_space<vmem>> -> memref<128x128xf32, #tpu.memory_space<vmem>>
    tpu.wait_dma2 semaphore(%arg8 : memref<!tpu.dma_semaphore, #tpu.memory_space<semaphore_mem>>) src(%dma_wait3A_70 : memref<128x128xf32, #tpu.memory_space<vmem>>) dst(%dma_wait3A_66 : memref<128x128xf32, #tpu.memory_space<hbm>>)
    %dma_wait3A_71 = arith.constant 0 : i32
    %dma_wait3A_72 = arith.constant 0 : i32
    %dma_wait3A_73 = arith.constant 0 : i32
    %dma_wait3A_74 = tpu.memref_slice %arg6[%dma_wait3A_71, %dma_wait3A_72, %dma_wait3A_73] : memref<6x128x128xf32, #tpu.memory_space<vmem>> -> memref<1x128x128xf32, #tpu.memory_space<vmem>>
    %dma_wait3A_75 = tpu.memref_squeeze %dma_wait3A_74 : memref<1x128x128xf32, #tpu.memory_space<vmem>> -> memref<128x128xf32, #tpu.memory_space<vmem>>
    %dma_wait3A_76 = arith.constant 0 : i32
    %dma_wait3A_77 = tpu.memref_slice %arg4[%mul3A_6, %dma_wait3A_76] : memref<819200x128xf32, #tpu.memory_space<hbm>> -> memref<128x128xf32, #tpu.memory_space<hbm>>
    %dma_wait3A_78 = arith.constant 0 : i32
    %dma_wait3A_79 = tpu.memref_slice %arg4[%mul3A_6, %dma_wait3A_78] : memref<819200x128xf32, #tpu.memory_space<hbm>> -> memref<128x128xf32, #tpu.memory_space<hbm>>
    %dma_wait3A_80 = arith.constant 0 : i32
    %dma_wait3A_81 = arith.constant 0 : i32
    %dma_wait3A_82 = tpu.memref_slice %arg6[%dma_wait3A_71, %dma_wait3A_80, %dma_wait3A_81] : memref<6x128x128xf32, #tpu.memory_space<vmem>> -> memref<1x128x128xf32, #tpu.memory_space<vmem>>
    %dma_wait3A_83 = tpu.memref_squeeze %dma_wait3A_82 : memref<1x128x128xf32, #tpu.memory_space<vmem>> -> memref<128x128xf32, #tpu.memory_space<vmem>>
    tpu.wait_dma2 semaphore(%arg8 : memref<!tpu.dma_semaphore, #tpu.memory_space<semaphore_mem>>) src(%dma_wait3A_83 : memref<128x128xf32, #tpu.memory_space<vmem>>) dst(%dma_wait3A_79 : memref<128x128xf32, #tpu.memory_space<hbm>>)
    return
  }
}

</mosaic_0001>

<sc_bundles>
// kernel: kernel.3.cloned.1.call-start
scs
__scs_entry_jumppad:
0x0: {  	(pc) =	sbr.rel $0x88, $3  }
0x1: {  	(tag) =	ssettag $0x0;
	lr =	simm.s32 $0x1  }
0x2: {  	[smem:$0x3F9F] =	sst lr;
	_ =	strace $0xD0000000  }
0x3: {  	_ = 	snop  }
0x4: {  	_ = 	snop  }
0x5: {  	_ = 	snop  }
0x6: {  	_ = 	snop  }
0x7: {  	_ = 	snop  }
__scs_overlays_trampoline_lowered:
0x8: {  	[smem:$0x3FAE] =	sst s0  }
0x9: {  	[smem:$0x3FAF] =	sst s1  }
0xa: {  	[smem:$0x3FB0] =	sst s2  }
0xb: {  	[smem:$0x3FB1] =	sst s3  }
0xc: {  	[smem:$0x3FB2] =	sst s4  }
0xd: {  	[smem:$0x3FB3] =	sst s5  }
0xe: {  	[smem:$0x3FB4] =	sst s6  }
0xf: {  	[smem:$0x3FB5] =	sst s7  }
0x10: {  	[smem:$0x3FB6] =	sst s8  }
0x11: {  	[smem:$0x3FB7] =	sst s9;
	s0 =	simm.s32 @!p0 $0x0  }
0x12: {  	s1 =	sld [smem:$0x3F9D];
	s0 =	simm.s32 @p0 $0x1  }
0x13: {  	[smem:$0x3FB8] =	sst s0;
	s0 =	simm.s32 @!p1 $0x0  }
0x14: {  	s2 =	sld [smem:$0x3F9C];
	s0 =	simm.s32 @p1 $0x1  }
0x15: {  	[smem:$0x3FB9] =	sst s0;
	s0 =	simm.s32 @!p2 $0x0  }
0x16: {  	s3 =	sld [smem:$0x3FDB];
	s0 =	simm.s32 @p2 $0x1  }
0x17: {  	s4 =	simm.s32 $0x1BF5;
	[smem:$0x3FBB] =	sst s0  }
0x18: {  	s0 =	sld [smem:$0x3F9E];
	_ =	swait.ge [sflag:s4], $0x0  }
0x19: {  	s7 =	sld [smem:$0x3F9F]  }
0x1a: {  	s8 =	sadd.s32 $0xFFFFE003, lr  }
0x1b: {  	s9 =	sadd.s32 $0xFFFFFEF7, lr;
	s5 =	simm.s32 $0xFFFFFFFF;
	p2 =	slt.u32 s8, $0xFFFFF086  }
0x1c: {  	p1 =	slt.u32 s9, $0xF7A;
	s5 =	simm.s32 @!p2 $0x0  }
0x1d: {  	s5 =	simm.s32 @p1 $0x1;
	p0 =	seq.s32 s7, s2  }
0x1e: {  	s7 =	smul.u32 @!p0 $0xF7A, s2;
	p2 =	seq.s32 @!p0 s5, $0x0  }
0x1f: {  	s9 =	smul.u32 $0xF7A, s1;
	s8 =	simm.s32 @!p0 $0x1BF5;
	p2 =	por !p2, p0  }
0x20: {  	[sflag:s8] =	ssyncset.s32 @!p0 $0xFFFFF086;
	s6 =	sadd.s32 @!p0 s3, s7;
	s7 =	simm.s32 @!p0 $0x108  }
0x21: {  	s3 =	sadd.s32 s3, s9;
	s6 =	sadd.s32 @!p0 $0x88, s6;
	s7 =	simm.s32 @p2 $0x1082  }
0x22: {  	[simem:s7], [sflag:s8] =	dma.local @!p0 [hbm:s6], $0xF7A  }
0x23: {  	s9 =	sor.u32 $0xD0000000, s2;
	s6 =	simm.s32 $0x108;
	_ =	swait.ge @!p0 [sflag:s8], $0x0  }
0x24: {  	s3 =	sadd.s32 $0x88, s3;
	s6 =	simm.s32 @!p1 $0x1082;
	[sflag:s4] =	ssyncset.s32 $0xFFFFF086  }
0x25: {  	[simem:s6], [sflag:s4] =	dma.local [hbm:s3], $0xF7A  }
0x26: {  	[smem:$0x3F9F] =	sst s1;
	(tag) =	ssettag s2;
	_ =	strace s9  }
0x27: {  	s1 =	sld [smem:$0x3FAF]  }
0x28: {  	s2 =	sld [smem:$0x3FB0]  }
0x29: {  	s4 =	sld [smem:$0x3FB2]  }
0x2a: {  	p0 =	seq.s32 s5, $0x0;
	s5 =	sld [smem:$0x3FB3]  }
0x2b: {  	s6 =	sld [smem:$0x3FB4]  }
0x2c: {  	s7 =	sld [smem:$0x3FB5]  }
0x2d: {  	s3 =	simm.s32 $0x108;
	s8 =	sld [smem:$0x3FB6]  }
0x2e: {  	s3 =	simm.s32 @!p0 $0x1082;
	s9 =	sld [smem:$0x3FB7]  }
0x2f: {  	lr =	sadd.s32 s0, s3;
	s0 =	sld [smem:$0x3FAE]  }
0x30: {  	s3 =	sld [smem:$0x3FB1]  }
0x31: {  	[smem:$0x3FBA] =	sst s10  }
0x32: {  	s10 =	sld [smem:$0x3FB8];
	_ =	sdelay $0x3  }
0x33: {  	p0 =	seq.s32 s10, $0x1;
	s10 =	sld [smem:$0x3FBA];
	_ =	sdelay $0x3  }
0x34: {  	[smem:$0x3FBA] =	sst s10  }
0x35: {  	s10 =	sld [smem:$0x3FB9];
	_ =	sdelay $0x3  }
0x36: {  	p1 =	seq.s32 s10, $0x1;
	s10 =	sld [smem:$0x3FBA];
	_ =	sdelay $0x3  }
0x37: {  	[smem:$0x3FBA] =	sst s10  }
0x38: {  	s10 =	sld [smem:$0x3FBB]  }
0x39: {  	_ = 	snop;
	(pc) =	sbr.ind lr, $3  }
0x3a: {  	_ = 	snop  }
0x3b: {  	_ = 	snop  }
0x3c: {  	p2 =	seq.s32 s10, $0x1;
	s10 =	sld [smem:$0x3FBA]  }
0x3d: {  	_ =	shalt  }
0x3e: {  	_ =	shalt  }
0x3f: {  	_ =	shalt  }
0x40: {  	_ =	shalt  }
0x41: {  	_ =	shalt  }
0x42: {  	_ =	shalt  }
0x43: {  	_ =	shalt  }
0x44: {  	_ =	shalt  }
0x45: {  	_ =	shalt  }
0x46: {  	_ =	shalt  }
0x47: {  	_ =	shalt  }
0x48: {  	_ =	shalt  }
0x49: {  	_ =	shalt  }
0x4a: {  	_ =	shalt  }
0x4b: {  	_ =	shalt  }
0x4c: {  	_ =	shalt  }
0x4d: {  	_ =	shalt  }
0x4e: {  	_ =	shalt  }
0x4f: {  	_ =	shalt  }
0x50: {  	_ =	shalt  }
0x51: {  	_ =	shalt  }
0x52: {  	_ =	shalt  }
0x53: {  	_ =	shalt  }
0x54: {  	_ =	shalt  }
0x55: {  	_ =	shalt  }
0x56: {  	_ =	shalt  }
0x57: {  	_ =	shalt  }
0x58: {  	_ =	shalt  }
0x59: {  	_ =	shalt  }
0x5a: {  	_ =	shalt  }
0x5b: {  	_ =	shalt  }
0x5c: {  	_ =	shalt  }
0x5d: {  	_ =	shalt  }
0x5e: {  	_ =	shalt  }
0x5f: {  	_ =	shalt  }
0x60: {  	_ =	shalt  }
0x61: {  	_ =	shalt  }
0x62: {  	_ =	shalt  }
0x63: {  	_ =	shalt  }
0x64: {  	_ =	shalt  }
0x65: {  	_ =	shalt  }
0x66: {  	_ =	shalt  }
0x67: {  	_ =	shalt  }
0x68: {  	_ =	shalt  }
0x69: {  	_ =	shalt  }
0x6a: {  	_ =	shalt  }
0x6b: {  	_ =	shalt  }
0x6c: {  	_ =	shalt  }
0x6d: {  	_ =	shalt  }
0x6e: {  	_ =	shalt  }
0x6f: {  	_ =	shalt  }
0x70: {  	_ =	shalt  }
0x71: {  	_ =	shalt  }
0x72: {  	_ =	shalt  }
0x73: {  	_ =	shalt  }
0x74: {  	_ =	shalt  }
0x75: {  	_ =	shalt  }
0x76: {  	_ =	shalt  }
0x77: {  	_ =	shalt  }
0x78: {  	_ =	shalt  }
0x79: {  	_ =	shalt  }
0x7a: {  	_ =	shalt  }
0x7b: {  	_ =	shalt  }
0x7c: {  	_ =	shalt  }
0x7d: {  	_ =	shalt  }
0x7e: {  	_ =	shalt  }
0x7f: {  	_ =	shalt  }
0x80: {  	_ =	shalt  }
0x81: {  	_ =	shalt  }
0x82: {  	_ =	shalt  }
0x83: {  	_ =	shalt  }
0x84: {  	_ =	shalt  }
0x85: {  	_ =	shalt  }
0x86: {  	_ =	shalt  }
0x87: {  	_ =	shalt  }
.Lfunc_end0:
.L_simem_size_0:
called_computation_lowered:
.L_overlay_start_0:
0x88: {  	s2 =	sld [smem:$0x3FD9]  }
0x89: {  	s3 =	sld [smem:$0x3FFE];
	_ =	sdelay $0x1  }
0x8a: {  	s1 =	srdreg.scid  }
0x8b: {  	s0 =	sand.u32 $0x1, s1  }
0x8c: {  	s17 =	sshll.u32 s0, $0xA;
	s2 =	sadd.s32 s3, s2  }
0x8d: {  	s2 =	sadd.s32 s2, s17  }
0x8e: {  	[smem:$0x3FC6] =	sst s2  }
0x8f: {  	_ = 	snop  }
0x90: {  	s2 =	sld [smem:$0x3FC8]  }
0x91: {  	s18 =	sld [smem:$0x3FD0];
	(tm) =	ssettm $0x1  }
0x92: {  	s4 =	sld [smem:$0x3FFB];
	_ =	sdelay $0x3  }
0x93: {  	_ =	strace s4  }
0x94: {  	s4 =	sld [smem:$0x3FFC];
	_ =	sdelay $0x3  }
0x95: {  	_ =	strace s4  }
0x96: {  	s4 =	sld [smem:$0x3FFD];
	_ =	sdelay $0x3  }
0x97: {  	_ =	strace s4  }
0x98: {  	_ =	strace $0x8FFFFFFF  }
0x99: {  	s19 =	sld [smem:$0x3FDB];
	_ =	sdelay $0x1  }
0x9a: {  	s5 =	simm.s32 $_scs_section_size  }
0x9b: {  	s6 =	simm.s32 $_size__tile_overlayer_lowered;
	s7 =	simm.s32 $_tile_overlayer_lowered  }
0x9c: {  	s22 =	simm.s32 $0x1BFF;
	s21 =	sshll.u32 s7, $0x1;
	s4 =	sadd.s32 s5, s19  }
0x9d: {  	s8 =	simm.s32 $0x0;
	s20 =	sshll.u32 s6, $0x1;
	s6 =	sadd.s32 s21, s4  }
0x9e: {  	[timem:s8], [sflag:s22] =	dma.local [hbm:s6], s20  }
0x9f: {  	_ =	swait.ge [sflag:s22], s20  }
0xa0: {  	s5 =	ssub.s32 $0x0, s20;
	[sflag:s22] =	ssyncset.done $0x0  }
0xa1: {  	[sflag:s22] =	ssyncadd.s32 s5;
	_ =	sdelay $0x1  }
0xa2: {  	s23 =	simm.s32 $0x1B8B  }
0xa3: {  	_ =	swait.ge [sflag:s23], $0x1  }
0xa4: {  	[sflag:s23] =	ssyncset.done $0x0  }
0xa5: {  	s25 =	simm.s32 $0x1B8E;
	s24 =	sld [smem:$0x3FFE];
	[sflag:s23] =	ssyncadd.s32 $0xFFFFFFFF  }
0xa6: {  	s26 =	simm.s32 $execute0_lowered;
	[smem:$0x3FD2] =	sst s25  }
0xa7: {  	s6 =	sshll.u32 s26, $0x1;
	_ =	strace $0x80000046;
	[dreg:$0x1] =	wrdreg $0xFFFFFFFF  }
0xa8: {  	s28 =	simm.s32 $_size_execute0_lowered;
	s4 =	sadd.s32 s4, s6;
	[dreg:$0x0] =	wrdreg $0x0  }
0xa9: {  	s6 =	sshll.u32 s28, $0x1;
	[dreg:$0x2] =	wrdreg s4  }
0xaa: {  	[dreg:$0x3] =	wrdreg s6  }
0xab: {  	[dreg:$0x4] =	wrdreg $0xC0  }
0xac: {  	_ =	task [dreg:s8], $0x5FFFF  }
0xad: {  	[dreg:$0x1] =	wrdreg $0xFFFFFFFF  }
0xae: {  	[dreg:$0x0] =	wrdreg $0x60  }
0xaf: {  	[dreg:$0x2] =	wrdreg s24  }
0xb0: {  	[dreg:$0x3] =	wrdreg s2  }
0xb1: {  	[dreg:$0x4] =	wrdreg s18  }
0xb2: {  	[dreg:$0x5] =	wrdreg $0x9  }
0xb3: {  	_ =	task.clear_ibuf [dreg:s8], $0x6FFFF;
	_ =	strace $0x90000046  }
0xb4: {  	s29 =	simm.s32 $0x9;
	_ =	strace $0x80000048  }
0xb5: {  	_ =	swait.ge [sflag:s29], $0x1  }
0xb6: {  	[sflag:s29] =	ssyncadd.s32 $0xFFFFFFFF  }
0xb7: {  	_ =	strace $0x90000048  }
0xb8: {  	_ =	sfence  }
0xb9: {  	s30 =	sld [smem:$0x0];
	_ =	sdelay $0x2  }
0xba: {  	s31 =	sshll.u32 s1, $0xD;
	s1 =	sshrl.u32 s1, $0x2  }
0xbb: {  	s3 =	sand.u32 $0x4000, s31;
	s1 =	sadd.s32 s1, s30  }
0xbc: {  	s0 =	sor.u32 s3, s0;
	s1 =	sshll.u32 s1, $0x11  }
0xbd: {  	s0 =	sor.u32 s1, s0  }
0xbe: {  	s0 =	sadd.s32 $0x8F2B, s0  }
0xbf: {  	[sflag:s0] =	ssyncadd.remote.s32 $0x1  }
0xc0: {  	_ =	sfence.sel $0xFFFF  }
0xc1: {  	[dreg:$0x0] =	wrdreg $0xFFFFFFFF;
	(pc) =	sbr.abs _section_cstart, $3  }
0xc2: {  	[dreg:$0x1] =	wrdreg $0xFFFFFFFF  }
0xc3: {  	_ =	task.clear_ibuf [dreg:s8], $0x2FFFF;
	_ =	strace $0x9FFFFFFF  }
0xc4: {  	(tm) =	ssettm $0x7FFFFFFF  }
0xc5: {  	_ =	shalt  }
tec
execute0_lowered:
.L_overlay_start_1:
0x0: {  	(tag) =	ssettag $0x1  }
0x1: {  	s4 =	rddreg [dreg:$0x0]  }
0x2: {  	s2 =	rddreg [dreg:$0x1]  }
0x3: {  	s6 =	rddreg [dreg:$0x2]  }
0x4: {  	s0 =	rddreg [dreg:$0x3]  }
0x5: {  	s3 =	srdreg.scid;
	s1 =	stileid.u32  }
0x6: {  	s11 =	simm.s32 $0x100;
	s12 =	simm.s32 $0xE400;
	s13 =	simm.s32 $0x1  }
0x7: {  	s14 =	simm.s32 $0x2;
	s15 =	simm.s32 $0x0;
	s5 =	sand.u32 $0x1, s3  }
0x8: {  	s7 =	sshll.u32 s1, $0x1;
	s8 =	smul.u32 $0x640000, s1;
	s3 =	simm.s32 $0x0  }
0x9: {  	s7 =	sor.u32 s5, s7;
	s9 =	smul.u32 $0x320000, s5;
	s5 =	ssub.s32 $0x2, s5  }
0xa: {  	[smem:$0x7FF] =	sst s3;
	s7 =	smul.u32 $0xC80, s7;
	s10 =	sshrl.u32 s5, $0x1  }
0xb: {  	_ =	strace $0x80000047;
	s8 =	sadd.s32 s9, s8;
	s5 =	ssub.s32 s5, s10  }
0xc: {  	s9 =	simm.s32 $0x6400;
	s10 =	simm.s32 $0xA400;
	s4 =	sadd.s32 s7, s4  }
0xd: {  	s31 =	sshrl.u32 s8, $0x3;
	s5 =	smax.u32 s5, $0x1;
	s7 =	simm.s32 $0x3  }
0xe: {  	s8 =	simm.s32 $0x80;
	s4 =	sadd.s32 $0x400, s4;
	s6 =	sadd.s32 s31, s6  }
.LBB2_1:
0xf: {  	[tilespmem:s3], [sflag:$0x3] =	stream.linear.gather [hbm4b:s4+s3], $0x6400, $0x38;
	[tilespmem:$0x1E400] =	vst v63  }
0x10: {  	_ =	swait.ge [sflag:s7], $0x6400  }
0x11: {  	[sflag:s7] =	ssyncset.done $0x0  }
0x12: {  	[sflag:s7] =	ssyncadd.s32 $0xFFFF9C00  }
0x13: {  	[tilespmem:s9], [sflag:$0x1] =	stream.indirect.gather [hbm4b:s2+s8], $0x80, s3, s8, $0xb8;
	[tilespmem:$0x1E400] =	vst v63  }
0x14: {  	_ = 	snop  }
0x15: {  	[tilespmem:s10], [sflag:$0x1] =	stream.indirect.gather [hbm4b:s2+s8], $0x80, s8, s8, $0xb8;
	[tilespmem:$0x1E400] =	vst v63  }
0x16: {  	s16 =	simm.s32 $0x180;
	s17 =	smov.u32 s6;
	s18 =	simm.s32 $0x0  }
0x17: {  	[tilespmem:s12], [sflag:$0x1] =	stream.indirect.gather [hbm4b:s2+s8], $0x80, s11, s8, $0xb8;
	[tilespmem:$0x1E400] =	vst v63  }
.LBB2_2:
0x18: {  	s19 =	smul.u32 $0xAB, s18;
	_ =	sdelay $0x1  }
0x19: {  	s19 =	sshrl.u32 s19, $0xA  }
0x1a: {  	s19 =	sand.u32 $0x3F, s19  }
0x1b: {  	s19 =	smul.u32 $0x6, s19;
	_ =	sdelay $0x1  }
0x1c: {  	s19 =	ssub.s32 s18, s19  }
0x1d: {  	_ =	swait.ge [sflag:s13], $0x4000;
	s19 =	sand.u32 $0xFF, s19  }
0x1e: {  	[sflag:s13] =	ssyncset.done $0x0;
	s19 =	sshll.u32 s19, $0xE  }
0x1f: {  	p0 =	slt.u32 s18, $0x3;
	[sflag:s13] =	ssyncadd.s32 $0xFFFFC000;
	s19 =	sadd.s32 $0x6400, s19  }
0x20: {  	[hbm4b:s17+s3] =	stream.linear.scatter [tilespmem:s19], [sflag:$0x2], $0x4000, $0x38;
	[tilespmem:$0x1E400] =	vst v63  }
0x21: {  	s19 =	simm.s32 @!p0 $0x2  }
0x22: {  	p1 =	sgt.u32 @!p0 s18, $0xC4;
	_ =	swait.ge @!p0 [sflag:s19], $0x4000  }
0x23: {  	p1 =	por p0, !p1;
	[sflag:s19] =	ssyncset.done @!p0 $0x0  }
0x24: {  	[sflag:s19] =	ssyncadd.s32 @!p0 $0xFFFFC000;
	s19 =	sadd.s32 @p1 $0x3, s18  }
0x25: {  	s20 =	smul.u32 @p1 $0xAB, s19;
	_ =	sdelay $0x1  }
0x26: {  	s20 =	sshrl.u32 @p1 s20, $0xA  }
0x27: {  	s20 =	sand.u32 @p1 $0x3F, s20  }
0x28: {  	s20 =	smul.u32 @p1 $0x6, s20  }
0x29: {  	s18 =	sadd.s32 $0x1, s18  }
0x2a: {  	p0 =	sne.s32 s18, $0xC8;
	s19 =	ssub.s32 @p1 s19, s20  }
.Ltmp0:
0x2b: {  	s19 =	sand.u32 @p1 $0xFF, s19;
	(pc) =	sbr.rel @p0 .LBB2_2-.Ltmp0, $4  }
0x2c: {  	s19 =	sshll.u32 @p1 s19, $0xE  }
0x2d: {  	s19 =	sadd.s32 @p1 $0x6400, s19  }
0x2e: {  	[tilespmem:s19], [sflag:$0x1] =	stream.indirect.gather @p1 [hbm4b:s2+s8], $0x80, s16, s8, $0xb8;
	[tilespmem:$0x1E400] =	vst v63  }
0x2f: {  	s17 =	sadd.s32 $0x800, s17;
	s16 =	sadd.s32 $0x80, s16  }
0x30: {  	_ =	swait.ge [sflag:s14], $0x4000  }
0x31: {  	[sflag:s14] =	ssyncset.done $0x0  }
0x32: {  	s15 =	sadd.s32 $0x1, s15;
	[sflag:s14] =	ssyncadd.s32 $0xFFFFC000  }
0x33: {  	p0 =	sne.s32 s15, s5;
	_ =	swait.ge [sflag:s14], $0x4000  }
.Ltmp1:
0x34: {  	[sflag:s14] =	ssyncset.done $0x0;
	(pc) =	sbr.rel @p0 .LBB2_1-.Ltmp1, $4  }
0x35: {  	[sflag:s14] =	ssyncadd.s32 $0xFFFFC000  }
0x36: {  	_ =	swait.ge [sflag:s14], $0x4000  }
0x37: {  	[sflag:s14] =	ssyncset.done $0x0  }
0x38: {  	[sflag:s14] =	ssyncadd.s32 $0xFFFFC000  }
0x39: {  	_ =	sfence.sel $0x180000  }
0x3a: {  	[bflag:$0x0] =	sbarrier.arrive $0xFFFF  }
0x3b: {  	p0 =	sne.s32 s1, $0x0;
	_ =	strace $0x90000047  }
0x3c: {  	s0 =	sadd.s32 @!p0 $0x100000, s0;
	[bflag:$0x2] =	sbarrier.arrive $0xFFFF  }
0x3d: {  	[sflag:s0] =	ssyncadd.tile.s32 @!p0 $0x1;
	_ =	shalt  }
.Lfunc_end2:
_tile_overlayer_lowered:
.L_overlay_start_2:
0x3e: {  	(tag) =	ssettag $0x2  }
0x3f: {  	s0 =	rddreg [dreg:$0x0];
	s2 =	stileid.u32  }
0x40: {  	s1 =	rddreg [dreg:$0x1];
	p0 =	sne.s32 s2, $0x0  }
0x41: {  	s3 =	rddreg [dreg:$0x2];
	[bflag:$0x3] =	sbarrier.arrive $0xFFFF;
	s2 =	simm.s32 @!p0 $0x1C03  }
0x42: {  	[timem:s3], [sflag:s2] =	dma.local @!p0 [hbm:s0], s1  }
0x43: {  	s0 =	simm.s32 @!p0 $0x3  }
0x44: {  	_ =	swait.ge @!p0 [sflag:s0], s1  }
0x45: {  	s1 =	ssub.s32 @!p0 $0x0, s1;
	[sflag:s0] =	ssyncset.done @!p0 $0x0  }
0x46: {  	[sflag:s0] =	ssyncadd.s32 @!p0 s1  }
0x47: {  	[bflag:$0x3] =	sbarrier.arrive $0xFFFF  }
0x48: {  	_ =	shalt  }

</sc_bundles>
